<compile_context>
chip_gen: v7x
topology: tpu7x:2x2x1
jax: 0.10.2.dev20260603
libtpu: 0.0.44.dev20260713+nightly
codegen_flags: <defaults>
</compile_context>

<pallas_src>
import jax
import jax.numpy as jnp
from jax.experimental import pallas as pl

_N = 129600

def _b(f_ref, o0, o1, o2, o3):
    v = jnp.broadcast_to(f_ref[0:1, 0:1], (8, _N))
    o0[...] = v
    o1[...] = v + 1.0
    o2[...] = v + 2.0
    o3[...] = v + 3.0

def kernel(x2d, bb, valid_bb, scale):
    feat16 = x2d[:, :4, :4].reshape(128, 16)
    sh = jax.ShapeDtypeStruct((32, _N), jnp.float32)
    outs = pl.pallas_call(_b,
        grid=(4,),
        in_specs=[pl.BlockSpec((8, 16), lambda i: (i, 0))],
        out_specs=[pl.BlockSpec((8, _N), lambda i: (i, 0))] * 4,
        out_shape=[sh, sh, sh, sh],
    )(feat16)
    big = jnp.zeros((128, _N), jnp.float32)
    for k in range(4):
        big = jax.lax.dynamic_update_slice(big, outs[k], (32 * k, 0))
    return big.reshape(128, 60, 36, 60)

# --- scband reference (transcript-rebuilt; emitter-appended) ---
"""Pipeline reference for scband-project-roipool-23252952941252 (READ-ONLY COPY).

The authoritative reference and input builder live on the scoring server;
editing this copy changes nothing except your own understanding.
"""

import jax, jax.numpy as jnp
import numpy as np

SCENE = (60, 36, 60)
D, H, W = 128, 120, 160
N = SCENE[0] * SCENE[1] * SCENE[2]


def setup_inputs(seed: int = 0) -> dict:
    key = jax.random.key(seed)
    k1, k2, k3 = jax.random.split(key, 3)
    x2d = jax.random.normal(k1, (D, H, W), dtype=jnp.float32)
    bb = jax.random.uniform(k2, (N, 4), dtype=jnp.float32)
    valid_bb = jax.random.randint(k3, (N,), 0, 2).astype(bool)
    scale = 1
    return {"x2d": x2d, "bb": bb, "valid_bb": valid_bb, "scale": scale}


def _bilinear(feat, y, x):
    d, h, w = feat.shape
    valid = (y >= -1.0) & (y <= h) & (x >= -1.0) & (x <= w)
    y = jnp.maximum(y, 0.0)
    x = jnp.maximum(x, 0.0)
    y_low = jnp.minimum(jnp.floor(y).astype(jnp.int32), h - 1)
    x_low = jnp.minimum(jnp.floor(x).astype(jnp.int32), w - 1)
    y = jnp.where(y_low >= h - 1, y_low.astype(y.dtype), y)
    x = jnp.where(x_low >= w - 1, x_low.astype(x.dtype), x)
    y_high = jnp.minimum(y_low + 1, h - 1)
    x_high = jnp.minimum(x_low + 1, w - 1)
    ly = y - y_low.astype(y.dtype)
    lx = x - x_low.astype(x.dtype)
    hy = 1.0 - ly
    hx = 1.0 - lx
    v1 = feat[:, y_low, x_low]
    v2 = feat[:, y_low, x_high]
    v3 = feat[:, y_high, x_low]
    v4 = feat[:, y_high, x_high]
    val = hy * hx * v1 + hy * lx * v2 + ly * hx * v3 + ly * lx * v4
    return jnp.where(valid, val, 0.0)


def _roi_align_1x1(feat, boxes, sampling_ratio=2):
    # torchvision roi_align, output_size=1, spatial_scale=1, aligned=False
    d, h, w = feat.shape
    x1, y1, x2, y2 = boxes[:, 0], boxes[:, 1], boxes[:, 2], boxes[:, 3]
    roi_w = jnp.maximum(x2 - x1, 1.0)
    roi_h = jnp.maximum(y2 - y1, 1.0)
    n = sampling_ratio
    offs = (jnp.arange(n, dtype=jnp.float32) + 0.5) / n
    ys = y1[:, None] + offs[None, :] * roi_h[:, None]  # [R, n]
    xs = x1[:, None] + offs[None, :] * roi_w[:, None]  # [R, n]
    r = ys.shape[0]
    yy = jnp.broadcast_to(ys[:, :, None], (r, n, n))
    xx = jnp.broadcast_to(xs[:, None, :], (r, n, n))
    vals = _bilinear(feat, yy, xx)  # [d, R, n, n]
    return vals.mean(axis=(2, 3))  # [d, R]


def reference(x2d, bb, valid_bb, scale):
    d, h, w = x2d.shape
    b = bb * (1.0 / jnp.asarray(scale, dtype=bb.dtype))
    x_eq = b[:, 0] == b[:, 2]
    y_eq = b[:, 1] == b[:, 3]
    b = b.at[:, 0].add(jnp.where(x_eq, -1.0, 0.0))
    b = b.at[:, 2].add(jnp.where(x_eq, 1.0, 0.0))
    b = b.at[:, 1].add(jnp.where(y_eq, -1.0, 0.0))
    b = b.at[:, 3].add(jnp.where(y_eq, 1.0, 0.0))
    b = jnp.maximum(b, 0.0)
    b = b.at[:, 2].set(jnp.where(b[:, 2] >= w, float(w - 1), b[:, 2]))
    b = b.at[:, 3].set(jnp.where(b[:, 3] >= h, float(h - 1), b[:, 3]))
    roi_feat = _roi_align_1x1(x2d, b, 2)  # [d, N]
    x3d = jnp.where(valid_bb[None, :], roi_feat, 0.0).astype(x2d.dtype)
    x3d = x3d.reshape(d, SCENE[0], SCENE[2], SCENE[1])
    x3d = jnp.transpose(x3d, (0, 1, 3, 2))
    return x3d

if __name__ == "__main__":
    import jax
    _d = setup_inputs()
    print(jax.jit(kernel)(*tuple(_d.values())))

</pallas_src>

<mosaic_0001>
module attributes {stable_mosaic.version = 14 : i64} {
  func.func @_b(%arg0: i32, %arg1: memref<8x16xf32, #tpu.memory_space<vmem>>, %arg2: memref<8x129600xf32, #tpu.memory_space<vmem>>, %arg3: memref<8x129600xf32, #tpu.memory_space<vmem>>, %arg4: memref<8x129600xf32, #tpu.memory_space<vmem>>, %arg5: memref<8x129600xf32, #tpu.memory_space<vmem>>) attributes {dimension_semantics = [#tpu.dimension_semantics<arbitrary>], iteration_bounds = array<i64: 4>, scalar_prefetch = 0 : i64, scratch_operands = 0 : i64, tpu.core_type = #tpu.core_type<tc>, window_params = [{transform_indices = @transform_0, window_bounds = array<i64: 8, 16>}, {transform_indices = @transform_1, window_bounds = array<i64: 8, 129600>}, {transform_indices = @transform_2, window_bounds = array<i64: 8, 129600>}, {transform_indices = @transform_3, window_bounds = array<i64: 8, 129600>}, {transform_indices = @transform_4, window_bounds = array<i64: 8, 129600>}]} {
    %get3A = arith.constant 0 : index
    %get3A_0 = arith.constant 0 : index
    %get3A_1 = vector.load %arg1[%get3A, %get3A_0] : memref<8x16xf32, #tpu.memory_space<vmem>>, vector<1x1xf32>
    %broadcast_in_dim3A = vector.shape_cast %get3A_1 : vector<1x1xf32> to vector<1x1xf32>
    %broadcast_in_dim3A_2 = vector.broadcast %broadcast_in_dim3A : vector<1x1xf32> to vector<8x129600xf32>
    %swap3A = arith.constant 0 : index
    %swap3A_3 = arith.constant 0 : index
    %swap3A_4 = vector.load %arg2[%swap3A, %swap3A_3] : memref<8x129600xf32, #tpu.memory_space<vmem>>, vector<8x129600xf32>
    tpu.vector_store %arg2[%swap3A, %swap3A_3], %broadcast_in_dim3A_2 {strides = array<i32>} : memref<8x129600xf32, #tpu.memory_space<vmem>>, vector<8x129600xf32>,
    %add3A = arith.constant 1.000000e+00 : f32
    %add3A_5 = vector.broadcast %add3A : f32 to vector<8x129600xf32>
    %add3A_6 = arith.addf %broadcast_in_dim3A_2, %add3A_5 : vector<8x129600xf32>
    %swap3A_7 = arith.constant 0 : index
    %swap3A_8 = arith.constant 0 : index
    %swap3A_9 = vector.load %arg3[%swap3A_7, %swap3A_8] : memref<8x129600xf32, #tpu.memory_space<vmem>>, vector<8x129600xf32>
    tpu.vector_store %arg3[%swap3A_7, %swap3A_8], %add3A_6 {strides = array<i32>} : memref<8x129600xf32, #tpu.memory_space<vmem>>, vector<8x129600xf32>,
    %add3A_10 = arith.constant 2.000000e+00 : f32
    %add3A_11 = vector.broadcast %add3A_10 : f32 to vector<8x129600xf32>
    %add3A_12 = arith.addf %broadcast_in_dim3A_2, %add3A_11 : vector<8x129600xf32>
    %swap3A_13 = arith.constant 0 : index
    %swap3A_14 = arith.constant 0 : index
    %swap3A_15 = vector.load %arg4[%swap3A_13, %swap3A_14] : memref<8x129600xf32, #tpu.memory_space<vmem>>, vector<8x129600xf32>
    tpu.vector_store %arg4[%swap3A_13, %swap3A_14], %add3A_12 {strides = array<i32>} : memref<8x129600xf32, #tpu.memory_space<vmem>>, vector<8x129600xf32>,
    %add3A_16 = arith.constant 3.000000e+00 : f32
    %add3A_17 = vector.broadcast %add3A_16 : f32 to vector<8x129600xf32>
    %add3A_18 = arith.addf %broadcast_in_dim3A_2, %add3A_17 : vector<8x129600xf32>
    %swap3A_19 = arith.constant 0 : index
    %swap3A_20 = arith.constant 0 : index
    %swap3A_21 = vector.load %arg5[%swap3A_19, %swap3A_20] : memref<8x129600xf32, #tpu.memory_space<vmem>>, vector<8x129600xf32>
    tpu.vector_store %arg5[%swap3A_19, %swap3A_20], %add3A_18 {strides = array<i32>} : memref<8x129600xf32, #tpu.memory_space<vmem>>, vector<8x129600xf32>,
    return
  }
  func.func @transform_0(%arg0: i32) -> (i32, i32) {
    %c0_i32 = arith.constant 0 : i32
    %c0_i32_0 = arith.constant 0 : i32
    return %arg0, %c0_i32 : i32, i32
  }
  func.func @transform_1(%arg0: i32) -> (i32, i32) {
    %c0_i32 = arith.constant 0 : i32
    %c0_i32_0 = arith.constant 0 : i32
    return %arg0, %c0_i32 : i32, i32
  }
  func.func @transform_2(%arg0: i32) -> (i32, i32) {
    %c0_i32 = arith.constant 0 : i32
    %c0_i32_0 = arith.constant 0 : i32
    return %arg0, %c0_i32 : i32, i32
  }
  func.func @transform_3(%arg0: i32) -> (i32, i32) {
    %c0_i32 = arith.constant 0 : i32
    %c0_i32_0 = arith.constant 0 : i32
    return %arg0, %c0_i32 : i32, i32
  }
  func.func @transform_4(%arg0: i32) -> (i32, i32) {
    %c0_i32 = arith.constant 0 : i32
    %c0_i32_0 = arith.constant 0 : i32
    return %arg0, %c0_i32 : i32, i32
  }
}

</mosaic_0001>

<sc_bundles>
// kernel: sparse-core-data-format-call.cloned.1.call-start
scs
called_computation_lowered:
.L_overlay_start_0:
0x0: {  	s2 =	sld [smem:$0x3FD9]  }
0x1: {  	s3 =	sld [smem:$0x3FFE];
	_ =	sdelay $0x1  }
0x2: {  	s1 =	srdreg.scid  }
0x3: {  	s0 =	sand.u32 $0x1, s1  }
0x4: {  	s18 =	sshll.u32 s0, $0xA;
	s2 =	sadd.s32 s3, s2  }
0x5: {  	s2 =	sadd.s32 s2, s18  }
0x6: {  	[smem:$0x3FC7] =	sst s2  }
0x7: {  	_ = 	snop  }
0x8: {  	s2 =	sld [smem:$0x3FD0];
	(tm) =	ssettm $0x1  }
0x9: {  	s19 =	sld [smem:$0x3FFB];
	_ =	sdelay $0x3  }
0xa: {  	_ =	strace s19  }
0xb: {  	s3 =	sld [smem:$0x3FFC];
	_ =	sdelay $0x3  }
0xc: {  	_ =	strace s3  }
0xd: {  	s3 =	sld [smem:$0x3FFD];
	_ =	sdelay $0x3  }
0xe: {  	_ =	strace s3  }
0xf: {  	_ =	strace $0x8FFFFFFF  }
0x10: {  	s20 =	sld [smem:$0x3FDB];
	_ =	sdelay $0x1  }
0x11: {  	s4 =	simm.s32 $_scs_section_size  }
0x12: {  	s5 =	simm.s32 $_size__tile_overlayer_lowered;
	s6 =	simm.s32 $_tile_overlayer_lowered  }
0x13: {  	s23 =	simm.s32 $0x1BFF;
	s22 =	sshll.u32 s6, $0x1;
	s3 =	sadd.s32 s4, s20  }
0x14: {  	s7 =	simm.s32 $0x0;
	s21 =	sshll.u32 s5, $0x1;
	s5 =	sadd.s32 s22, s3  }
0x15: {  	[timem:s7], [sflag:s23] =	dma.local [hbm:s5], s21  }
0x16: {  	_ =	swait.ge [sflag:s23], s21  }
0x17: {  	s4 =	ssub.s32 $0x0, s21;
	[sflag:s23] =	ssyncset.done $0x0  }
0x18: {  	[sflag:s23] =	ssyncadd.s32 s4;
	_ =	sdelay $0x1  }
0x19: {  	s24 =	simm.s32 $0x1B8B  }
0x1a: {  	_ =	swait.ge [sflag:s24], $0x1  }
0x1b: {  	[sflag:s24] =	ssyncset.done $0x0  }
0x1c: {  	s26 =	simm.s32 $0x1B8E;
	s25 =	sld [smem:$0x3FFE];
	[sflag:s24] =	ssyncadd.s32 $0xFFFFFFFF  }
0x1d: {  	s27 =	simm.s32 $execute0_lowered;
	[smem:$0x3FD2] =	sst s26  }
0x1e: {  	s5 =	sshll.u32 s27, $0x1;
	_ =	strace $0x80000046;
	[dreg:$0x1] =	wrdreg $0xFFFFFFFF  }
0x1f: {  	s28 =	simm.s32 $_size_execute0_lowered;
	s3 =	sadd.s32 s3, s5;
	[dreg:$0x0] =	wrdreg $0x0  }
0x20: {  	s5 =	sshll.u32 s28, $0x1;
	[dreg:$0x2] =	wrdreg s3  }
0x21: {  	[dreg:$0x3] =	wrdreg s5  }
0x22: {  	[dreg:$0x4] =	wrdreg $0xC0  }
0x23: {  	_ =	task [dreg:s7], $0x5FFFF  }
0x24: {  	[dreg:$0x1] =	wrdreg $0xFFFFFFFF  }
0x25: {  	[dreg:$0x0] =	wrdreg $0x60  }
0x26: {  	[dreg:$0x2] =	wrdreg s2  }
0x27: {  	[dreg:$0x3] =	wrdreg s25  }
0x28: {  	[dreg:$0x4] =	wrdreg $0x9  }
0x29: {  	_ =	task.clear_ibuf [dreg:s7], $0x5FFFF;
	_ =	strace $0x90000046  }
0x2a: {  	s29 =	simm.s32 $0x9;
	_ =	strace $0x80000048  }
0x2b: {  	_ =	swait.ge [sflag:s29], $0x1  }
0x2c: {  	[sflag:s29] =	ssyncadd.s32 $0xFFFFFFFF  }
0x2d: {  	_ =	strace $0x90000048  }
0x2e: {  	_ =	sfence  }
0x2f: {  	s30 =	sld [smem:$0x0];
	_ =	sdelay $0x2  }
0x30: {  	s31 =	sshll.u32 s1, $0xD;
	s1 =	sshrl.u32 s1, $0x2  }
0x31: {  	s3 =	sand.u32 $0x4000, s31;
	s1 =	sadd.s32 s1, s30  }
0x32: {  	s0 =	sor.u32 s3, s0;
	s1 =	sshll.u32 s1, $0x11  }
0x33: {  	s0 =	sor.u32 s1, s0  }
0x34: {  	s0 =	sadd.s32 $0x8F2B, s0  }
0x35: {  	[sflag:s0] =	ssyncadd.remote.s32 $0x1  }
0x36: {  	_ =	sfence.sel $0xFFFF  }
0x37: {  	[dreg:$0x0] =	wrdreg $0xFFFFFFFF;
	(pc) =	sbr.abs _section_cstart, $3  }
0x38: {  	[dreg:$0x1] =	wrdreg $0xFFFFFFFF  }
0x39: {  	_ =	task.clear_ibuf [dreg:s7], $0x2FFFF;
	_ =	strace $0x9FFFFFFF  }
0x3a: {  	(tm) =	ssettm $0x7FFFFFFF  }
0x3b: {  	_ =	shalt  }
tec
execute0_lowered:
.L_overlay_start_1:
0x0: {  	(tag) =	ssettag $0x1  }
0x1: {  	s2 =	rddreg [dreg:$0x0]  }
0x2: {  	s0 =	srdreg.scid;
	s4 =	rddreg [dreg:$0x1]  }
0x3: {  	s1 =	stileid.u32;
	s5 =	simm.s32 $0x1;
	s7 =	simm.s32 $0x2  }
0x4: {  	s14 =	simm.s32 $0x0;
	p0 =	por $0x0, $0x0;
	s0 =	sshll.u32 s0, $0x4  }
0x5: {  	s13 =	simm.s32 $0x0;
	s8 =	simm.s32 $0x0;
	s3 =	sand.u32 $0x10, s0  }
.Ltmp0:
0x6: {  	s9 =	simm.s32 $0x0;
	s3 =	sor.u32 s1, s3;
	(pc) =	sbr.rel .LBB1_1-.Ltmp0, $4  }
0x7: {  	s11 =	simm.s32 $0x0;
	s12 =	simm.s32 $0x0;
	s3 =	sshll.u32 s3, $0x7  }
0x8: {  	s0 =	rddreg [dreg:$0x2];
	_ =	strace $0x80000047;
	s6 =	ssub.s32 $0x1FA00, s3  }
0x9: {  	s4 =	sadd.s32 $0x1600, s4;
	[sflag:s5] =	ssyncpa.u1 $0x0;
	s6 =	sshrl.u32 s6, $0xC  }
0xa: {  	[sflag:s7] =	ssyncpa.u1 $0x0;
	s10 =	smov.u32 s3;
	s7 =	sadd.s32 $0x2, s6  }
.LBB1_5:
0xb: {  	p1 =	slt.u32 s12, $0x2  }
0xc: {  	p2 =	sgt.s32 @!p1 s14, $0x1F9C0  }
0xd: {  	s15 =	smov.u32 s14;
	s16 =	sshra.s32 @!p1 s14, $0x1F;
	p2 =	por !p2, p1  }
0xe: {  	s14 =	sand.u32 @!p1 s16, s14;
	s15 =	simm.s32 @p2 $0x1F9C0  }
0xf: {  	s14 =	ssub.s32 @!p1 s15, s14;
	s15 =	ssub.s32 @!p1 $0x0, s13  }
0x10: {  	s17 =	smov.u32 s11;
	s16 =	sadd.s32 @!p1 $0xFFFE0640, s14;
	s13 =	smin.u32 @!p1 s13, s15  }
0x11: {  	s14 =	ssub.s32 @!p1 $0x1FA40, s14;
	p2 =	sgt.s32 @!p1 s16, $0x7F;
	p3 =	sgt.s32 @!p1 s13, $0x7F  }
0x12: {  	s13 =	ssub.s32 @!p1 $0x80, s13;
	p2 =	por !p2, p1;
	p3 =	por !p3, p1  }
0x13: {  	s15 =	sadd.s32 $0x1000, s10;
	s14 =	simm.s32 @!p2 $0x0;
	s13 =	simm.s32 @!p3 $0x0  }
0x14: {  	p2 =	sgt.s32 s15, $0x1FA3F;
	s13 =	smul.u32 @!p1 s13, s14;
	s14 =	sadd.s32 $0x80, s11  }
0x15: {  	s17 =	smov.u32 @p2 s14  }
0x16: {  	s15 =	smov.u32 @p2 s3;
	p2 =	sgt.s32 s17, $0x7F  }
0x17: {  	s17 =	simm.s32 @p2 $0x0;
	p2 =	sne.s32 s12, s7  }
.Ltmp1:
0x18: {  	p0 =	por !p0, !p0;
	s16 =	simm.s32 @!p1 $0x2;
	(pc) =	sbr.rel @!p2 .LBB1_6-.Ltmp1, $4  }
0x19: {  	s14 =	smov.u32 s8;
	s8 =	smov.u32 s10;
	s13 =	sand.u32 @!p1 $0x3FFFFFFF, s13  }
0x1a: {  	s10 =	smov.u32 s15;
	_ =	swait.ge @!p1 [sflag:s16], s13;
	s18 =	ssub.s32 @!p1 $0x0, s13  }
0x1b: {  	s13 =	smov.u32 s9;
	s12 =	sadd.s32 $0x1, s12;
	[sflag:s16] =	ssyncset.done @!p1 $0x0  }
0x1c: {  	s9 =	smov.u32 s11;
	s11 =	smov.u32 s17;
	[sflag:s16] =	ssyncadd.s32 @!p1 s18  }
.LBB1_1:
0x1d: {  	p1 =	sgt.u32 s12, s6  }
0x1e: {  	s15 =	sshrl.u32 @!p1 s11, $0x3  }
0x1f: {  	s16 =	sshll.u32 @!p1 s10, $0x3;
	s15 =	smul.u32 @!p1 $0xFD400, s15  }
0x20: {  	s17 =	sshll.u32 @!p1 s11, $0x7;
	s16 =	sand.u32 @!p1 $0xFFFFFC00, s16  }
0x21: {  	s15 =	sadd.s32 @!p1 s15, s16;
	s16 =	sand.u32 @!p1 $0x380, s17  }
0x22: {  	s17 =	sand.u32 @!p1 $0x7F, s10;
	s15 =	sor.u32 @!p1 s16, s15  }
0x23: {  	s16 =	sor.u32 @!p1 s17, s15  }
0x24: {  	s17 =	smulhi.u32 @!p1 $0x8163D283, s16;
	_ =	sdelay $0x1  }
0x25: {  	s15 =	smulhi.u32 @!p1 $0x8163D283, s15;
	s17 =	sshrl.u32 @!p1 s17, $0x10  }
0x26: {  	s17 =	smul.u32 @!p1 $0x1FA80, s17  }
0x27: {  	s18 =	sxor.u32 @!p1 $0xFFFFFFFF, s12;
	s15 =	sshrl.u32 @!p1 s15, $0x10  }
0x28: {  	s18 =	sshll.u32 @!p1 s18, $0xE;
	s15 =	sand.u32 @!p1 $0x7F, s15;
	s16 =	ssub.s32 @!p1 s16, s17  }
0x29: {  	s15 =	smul.u32 @!p1 $0x3F50, s15;
	s17 =	sshrl.u32 @!p1 s16, $0x3;
	s16 =	sand.u32 @!p1 $0x7, s16  }
0x2a: {  	s18 =	sand.u32 @!p1 $0x4000, s18;
	s17 =	sadd.s32 @!p1 s2, s17;
	s16 =	sshll.u32 @!p1 s16, $0x12  }
0x2b: {  	s15 =	sadd.s32 @!p1 s15, s17;
	s16 =	sor.u32 @!p1 $0x400, s16;
	s17 =	simm.s32 @!p1 $0xFD400  }
0x2c: {  	[tilespmem:s18], [sflag:$0x1] =	stream.strided.gather @!p1 [hbm4b:s15+s16], $0x4000, s17, s16, $0x38;
	[tilespmem:$0x10100] =	vst v63  }
0x2d: {  	p1 =	seq.s32 s12, $0x0  }
0x2e: {  	p2 =	sge.u32 @!p1 s12, s7  }
0x2f: {  	p1 =	por p1, p2  }
.Ltmp2:
0x30: {  	_ = 	snop;
	(pc) =	sbr.rel @p1 .LBB1_5-.Ltmp2, $1  }
0x31: {  	_ =	sdelay $0x3  }
0x32: {  	s15 =	simm.s32 $0x1  }
0x33: {  	_ =	swait.ge [sflag:s5], $0x4000;
	s15 =	simm.s32 @!p0 $0x0  }
0x34: {  	[sflag:s5] =	ssyncset.done $0x0;
	s16 =	sshll.u32 s15, $0xE  }
0x35: {  	[sflag:s5] =	ssyncadd.s32 $0xFFFFC000;
	s16 =	sor.u32 $0x40, s16  }
0x36: {  	s15 =	smul.u32 $0x10200, s15;
	v0 =	vld [tilespmem:s16+$0x30]  }
0x37: {  	v1 =	vld [tilespmem:s16+$0xFFFFFFD0]  }
0x38: {  	s15 =	sshrl.u32 s15, $0x2;
	v5 =	vld [tilespmem:s16+$0xFFFFFFE0]  }
0x39: {  	v6 =	vld [tilespmem:s16+$0xFFFFFFF0];
	s18 =	sor.u32 $0x8000, s15  }
0x3a: {  	s31 =	sand.u32 $0x1, s12;
	v4 =	vld [tilespmem:s16+$0x0];
	s17 =	sadd.s32 $0x0, s18  }
0x3b: {  	v3 =	vld [tilespmem:s16+$0x10];
	s15 =	smul.u32 $0x10200, s31;
	[tilespmem:s17+$0x3870 ss:$0x81] =	vst.msk $0xffff, v0  }
0x3c: {  	v2 =	vld [tilespmem:s16+$0x20];
	[tilespmem:s17+$0x810 ss:$0x81] =	vst.msk $0xffff, v1  }
0x3d: {  	s15 =	sshrl.u32 s15, $0x2;
	v0 =	vld [tilespmem:s16+$0xFFFFFFC0];
	[tilespmem:s17+$0x1020 ss:$0x81] =	vst.msk $0xffff, v5;
	s16 =	sadd.s32 $0x80, s16  }
0x3e: {  	s19 =	simm.s32 $0x4;
	s20 =	simm.s32 $0x8;
	s15 =	sor.u32 $0x8000, s15;
	[tilespmem:s17+$0x1830 ss:$0x81] =	vst.msk $0xffff, v6;
	v1 =	vld [tilespmem:s16+$0x30]  }
.LBB1_3:
0x3f: {  	p1 =	sne.s32 s20, $0x1FC;
	v5 =	vld [tilespmem:s16+$0xFFFFFFD0];
	[tilespmem:s17+$0x2040 ss:$0x81] =	vst.msk $0xffff, v4  }
0x40: {  	v6 =	vld [tilespmem:s16+$0xFFFFFFE0];
	[tilespmem:s17+$0x2850 ss:$0x81] =	vst.msk $0xffff, v3  }
0x41: {  	s21 =	sshra.s32 s19, $0x2;
	s19 =	smov.u32 s20;
	v7 =	vld [tilespmem:s16+$0xFFFFFFF0];
	[tilespmem:s17+$0x3060 ss:$0x81] =	vst.msk $0xffff, v2  }
.Ltmp3:
0x42: {  	v4 =	vld [tilespmem:s16+$0x0];
	[tilespmem:s17+$0x0 ss:$0x81] =	vst.msk $0xffff, v0;
	s17 =	sadd.s32 s21, s18;
	(pc) =	sbr.rel @p1 .LBB1_3-.Ltmp3, $4  }
0x43: {  	v3 =	vld [tilespmem:s16+$0x10];
	[tilespmem:s17+$0x3870 ss:$0x81] =	vst.msk $0xffff, v1  }
0x44: {  	[tilespmem:s17+$0x810 ss:$0x81] =	vst.msk $0xffff, v5;
	v2 =	vld [tilespmem:s16+$0x20]  }
0x45: {  	v0 =	vld [tilespmem:s16+$0xFFFFFFC0];
	[tilespmem:s17+$0x1020 ss:$0x81] =	vst.msk $0xffff, v6;
	s16 =	sadd.s32 $0x80, s16  }
0x46: {  	s20 =	sadd.s32 $0x4, s20;
	v1 =	vld [tilespmem:s16+$0x30];
	[tilespmem:s17+$0x1830 ss:$0x81] =	vst.msk $0xffff, v7  }
0x47: {  	s20 =	sshll.u32 s8, $0x7;
	s21 =	sshll.u32 s9, $0x3;
	s19 =	sshra.s32 s19, $0x2  }
0x48: {  	v5 =	vld [tilespmem:s16+$0xFFFFFFD0];
	[tilespmem:s17+$0x2040 ss:$0x81] =	vst.msk $0xffff, v4;
	p1 =	sgt.s32 s8, $0x1F9C0;
	s22 =	sand.u32 $0xFFFFFC00, s20;
	s21 =	sand.u32 $0xFFFFFC00, s21  }
0x49: {  	v58 =	vld [tilespmem:s16+$0xFFFFFFE0];
	s24 =	sshra.s32 s8, $0x1F;
	s20 =	sand.u32 $0x380, s20;
	[tilespmem:s17+$0x2850 ss:$0x81] =	vst.msk $0xffff, v3;
	s21 =	sadd.s32 s21, s22  }
0x4a: {  	v59 =	vld [tilespmem:s16+$0xFFFFFFF0];
	s26 =	ssub.s32 $0x0, s9;
	s18 =	sadd.s32 s19, s18;
	[tilespmem:s17+$0x3060 ss:$0x81] =	vst.msk $0xffff, v2;
	s23 =	sor.u32 s20, s21  }
0x4b: {  	v60 =	vld [tilespmem:s16+$0x0];
	s28 =	smin.u32 s9, s26;
	s20 =	smov.u32 s8;
	[tilespmem:s17+$0x0 ss:$0x81] =	vst.msk $0xffff, v0;
	s19 =	sshrl.u32 s23, $0x7  }
0x4c: {  	v61 =	vld [tilespmem:s16+$0x10];
	s21 =	sand.u32 s24, s8;
	s20 =	simm.s32 @!p1 $0x1F9C0;
	[tilespmem:s18+$0x3870 ss:$0x81] =	vst.msk $0xffff, v1;
	s25 =	smulhi.u32 $0x205D0B9, s19  }
0x4d: {  	v62 =	vld [tilespmem:s16+$0x20];
	s29 =	sshrl.u32 s9, $0x3;
	p2 =	sgt.s32 s28, $0x7F;
	s20 =	ssub.s32 s20, s21;
	[tilespmem:s18+$0x810 ss:$0x81] =	vst.msk $0xffff, v5  }
0x4e: {  	v63 =	vld [tilespmem:s16+$0xFFFFFFC0];
	[tilespmem:s18+$0x1020 ss:$0x81] =	vst.msk $0xffff, v58;
	s21 =	sadd.s32 $0xFFFE0640, s20;
	s20 =	ssub.s32 $0x1FA40, s20;
	s17 =	sshrl.u32 s25, $0xA  }
0x4f: {  	[tilespmem:s18+$0x1830 ss:$0x81] =	vst.msk $0xffff, v59;
	p1 =	sgt.s32 s21, $0x7F;
	s27 =	smul.u32 $0x1FA40, s17;
	s17 =	ssub.s32 $0x80, s28  }
.Ltmp4:
0x50: {  	[tilespmem:s18+$0x2040 ss:$0x81] =	vst.msk $0xffff, v60;
	s20 =	simm.s32 @p1 $0x0;
	s17 =	simm.s32 @p2 $0x0;
	(pc) =	sbr.rel .LBB1_5-.Ltmp4, $4  }
0x51: {  	s30 =	sand.u32 $0xF, s29;
	[tilespmem:s18+$0x2850 ss:$0x81] =	vst.msk $0xffff, v61;
	s16 =	ssub.s32 s19, s27;
	s17 =	smul.u32 s17, s20  }
0x52: {  	[tilespmem:s18+$0x3060 ss:$0x81] =	vst.msk $0xffff, v62;
	s19 =	sadd.s32 s4, s30;
	s16 =	sshll.u32 s16, $0x4  }
0x53: {  	s31 =	sand.u32 $0x7, s9;
	[tilespmem:s18+$0x0 ss:$0x81] =	vst.msk $0xffff, v63;
	s17 =	sand.u32 $0x3FFFFFFF, s17;
	s16 =	sadd.s32 s16, s19  }
0x54: {  	[hbm4b:s16+s31] =	stream.linear.scatter [tilespmem:s15], [sflag:$0x2], s17, $0x20;
	[tilespmem:$0x10100] =	vst v63  }
.LBB1_6:
0x55: {  	_ =	sfence.sel $0x180000  }
0x56: {  	s2 =	simm.s32 $0x1;
	[bflag:$0x0] =	sbarrier.arrive $0xFFFF  }
0x57: {  	s31 =	simm.s32 $0x2;
	[sflag:s2] =	ssyncpa.u1 $0x1  }
0x58: {  	[sflag:s31] =	ssyncpa.u1 $0x1  }
0x59: {  	p0 =	sne.s32 s1, $0x0;
	_ =	strace $0x90000047  }
0x5a: {  	s0 =	sadd.s32 @!p0 $0x100000, s0;
	[bflag:$0x2] =	sbarrier.arrive $0xFFFF  }
0x5b: {  	[sflag:s0] =	ssyncadd.tile.s32 @!p0 $0x1;
	_ =	shalt  }
.Lfunc_end1:
_tile_overlayer_lowered:
.L_overlay_start_2:
0x5c: {  	(tag) =	ssettag $0x2  }
0x5d: {  	s0 =	rddreg [dreg:$0x0];
	s2 =	stileid.u32  }
0x5e: {  	s1 =	rddreg [dreg:$0x1];
	p0 =	sne.s32 s2, $0x0  }
0x5f: {  	s3 =	rddreg [dreg:$0x2];
	[bflag:$0x3] =	sbarrier.arrive $0xFFFF;
	s2 =	simm.s32 @!p0 $0x1C01  }
0x60: {  	[timem:s3], [sflag:s2] =	dma.local @!p0 [hbm:s0], s1  }
0x61: {  	s0 =	simm.s32 @!p0 $0x1  }
0x62: {  	_ =	swait.ge @!p0 [sflag:s0], s1  }
0x63: {  	s1 =	ssub.s32 @!p0 $0x0, s1;
	[sflag:s0] =	ssyncset.done @!p0 $0x0  }
0x64: {  	[sflag:s0] =	ssyncadd.s32 @!p0 s1  }
0x65: {  	[bflag:$0x3] =	sbarrier.arrive $0xFFFF  }
0x66: {  	_ =	shalt  }

</sc_bundles>
